<compile_context>
chip_gen: v7x
topology: tpu7x:2x2x1
jax: 0.10.2.dev20260603
libtpu: 0.0.44.dev20260713+nightly
codegen_flags: <defaults>
</compile_context>

<pallas_src>
import jax
import jax.numpy as jnp
from jax import lax
from jax.experimental import pallas as pl
from jax.experimental.pallas import tpu as pltpu
from jax.experimental.pallas import tpu_sc as plsc

_B = 16
_P = 22743
_C = 85
_T = 200
_TPAD = 256
_PTILE = 1024
_NP_TILES = 23
_PPAD = _PTILE * _NP_TILES
_CHUNK = 22752
_EXCL_N = 16 * _CHUNK
_DUMP = _B * _P
_OFFS = (0, 361, 722, 1083, 2527, 3971, 5415, 11191, 16967)
_THRESH = 0.5
_EPS = 1e-16


def _sc_body(t_hbm, pred1d_hbm, anch_hbm, zeros_hbm,
             excl_hbm, boxes_hbm,
             t_v, anch_v, sidx_v, gidx_v, val_v, box_v, zchunk_v, sem):
    cid = lax.axis_index("c")
    sid = lax.axis_index("s")

    @pl.when((cid == 0) & (sid == 0))
    def _core0():
        pltpu.sync_copy(zeros_hbm, zchunk_v)
        pltpu.sync_copy(zchunk_v, excl_hbm.at[pl.ds(0, _CHUNK)])


_sc_routing_built = None


def _sc_routing():
    global _sc_routing_built
    if _sc_routing_built is None:
        _sc_routing_built = pl.kernel(
            _sc_body,
            mesh=plsc.VectorSubcoreMesh(core_axis_name="c", subcore_axis_name="s"),
            out_type=[
                jax.ShapeDtypeStruct((_EXCL_N,), jnp.float32),
                jax.ShapeDtypeStruct((4 * _TPAD,), jnp.float32),
            ],
            scratch_types=[
                pltpu.VMEM((8 * _TPAD,), jnp.float32),
                pltpu.VMEM((18 * 16,), jnp.float32),
                pltpu.VMEM((16,), jnp.int32),
                pltpu.VMEM((16,), jnp.int32),
                pltpu.VMEM((16,), jnp.float32),
                pltpu.VMEM((16,), jnp.float32),
                pltpu.VMEM((_CHUNK,), jnp.float32),
                pltpu.SemaphoreType.DMA,
            ],
        )
    return _sc_routing_built


def _corner_rows(x, y, w, h):
    return x - w * 0.5, y - h * 0.5, x + w * 0.5, y + h * 0.5


def _tc_body(pr_ref, tc_ref, tr_ref, conf_ref, excl_ref, boxes_ref, out_ref):
    i = pl.program_id(0)

    px = pr_ref[0:1, :]
    py = pr_ref[1:2, :]
    pw = pr_ref[2:3, :]
    ph = pr_ref[3:4, :]
    px1, py1, px2, py2 = _corner_rows(px, py, pw, ph)

    tx = tc_ref[:, 2:3]
    ty = tc_ref[:, 3:4]
    tw = tc_ref[:, 4:5]
    th = tc_ref[:, 5:6]
    tx1, ty1, tx2, ty2 = _corner_rows(tx, ty, tw, th)

    ix1 = jnp.maximum(tx1, px1)
    iy1 = jnp.maximum(ty1, py1)
    ix2 = jnp.minimum(tx2, px2)
    iy2 = jnp.minimum(ty2, py2)
    inter = jnp.maximum(ix2 - ix1, 0.0) * jnp.maximum(iy2 - iy1, 0.0)
    area_t = (tx2 - tx1) * (ty2 - ty1)
    area_p = (px2 - px1) * (py2 - py1)
    iou = inter / (area_t + area_p - inter + _EPS)
    ignore = jnp.max(iou, axis=0, keepdims=True) > _THRESH

    lane_p = lax.broadcasted_iota(jnp.int32, (1, _PTILE), 1)
    valid_p = (i * _PTILE + lane_p) < _P

    x = conf_ref[...]
    sig = 1.0 / (1.0 + jnp.exp(-x))
    bce = jnp.maximum(x, 0.0) + jnp.log1p(jnp.exp(-jnp.abs(x)))
    g = sig * sig * bce
    noobj = jnp.logical_and(
        jnp.logical_and(jnp.logical_not(ignore), valid_p),
        excl_ref[...] == 0.0,
    )
    tile_sum = jnp.sum(jnp.where(noobj, g, 0.0))

    @pl.when(i == 0)
    def _giou():
        ax = boxes_ref[0:1, :]
        ay = boxes_ref[1:2, :]
        aw = boxes_ref[2:3, :]
        ah = boxes_ref[3:4, :]
        bx = tr_ref[2:3, :]
        by = tr_ref[3:4, :]
        bw = tr_ref[4:5, :]
        bh = tr_ref[5:6, :]
        ax1, ay1, ax2, ay2 = _corner_rows(ax, ay, aw, ah)
        bx1, by1, bx2, by2 = _corner_rows(bx, by, bw, bh)
        gin = (jnp.maximum(jnp.minimum(ax2, bx2) - jnp.maximum(ax1, bx1), 0.0)
               * jnp.maximum(jnp.minimum(ay2, by2) - jnp.maximum(ay1, by1), 0.0))
        area_a = (ax2 - ax1) * (ay2 - ay1)
        area_b = (bx2 - bx1) * (by2 - by1)
        union = area_a + area_b - gin
        giou_iou = gin / (union + _EPS)
        cw = jnp.maximum(ax2, bx2) - jnp.minimum(ax1, bx1)
        ch = jnp.maximum(ay2, by2) - jnp.minimum(ay1, by1)
        c_area = cw * ch + _EPS
        giou = giou_iou - (c_area - union) / c_area
        coeff = 2.0 - bw * bh
        lane_t = lax.broadcasted_iota(jnp.int32, (1, _TPAD), 1)
        term = jnp.where(lane_t < _T, coeff * (1.0 - giou), 0.0)
        out_ref[...] = jnp.reshape(jnp.sum(term), (1, 1))

    out_ref[...] = out_ref[...] + jnp.reshape(tile_sum, (1, 1))

    @pl.when(i == _NP_TILES - 1)
    def _finish():
        out_ref[...] = out_ref[...] * (1.0 / _B)


_tc_call = pl.pallas_call(
    _tc_body,
    grid=(_NP_TILES,),
    in_specs=[
        pl.BlockSpec((4, _PTILE), lambda i: (0, i)),
        pl.BlockSpec((_TPAD, 8), lambda i: (0, 0)),
        pl.BlockSpec((8, _TPAD), lambda i: (0, 0)),
        pl.BlockSpec((_B, _PTILE), lambda i: (0, i)),
        pl.BlockSpec((_B, _PTILE), lambda i: (0, i)),
        pl.BlockSpec((4, _TPAD), lambda i: (0, 0)),
    ],
    out_specs=pl.BlockSpec((1, 1), lambda i: (0, 0)),
    out_shape=jax.ShapeDtypeStruct((1, 1), jnp.float32),
)


def kernel(predictions, priori_boxes, featuremap_sizes, input_dim, targets):
    conf = jnp.pad(predictions[:, :, 4], ((0, 0), (0, _PPAD - _P)))
    pr_t = jnp.pad(priori_boxes.T, ((0, 0), (0, _PPAD - _P)))
    t_rows = jnp.pad(targets, ((0, _TPAD - _T), (0, 2)))
    t_lanes = jnp.pad(targets.T, ((0, 2), (0, _TPAD - _T)))
    pred1d = predictions.reshape(-1)
    offs = jnp.array(_OFFS, jnp.int32)
    anch = jnp.broadcast_to(
        jnp.concatenate([priori_boxes[offs, 2], priori_boxes[offs, 3]])[:, None],
        (18, 16),
    ).reshape(-1)
    zeros_chunk = jnp.zeros((_CHUNK,), jnp.float32)

    excl, boxes = _sc_routing()(t_lanes.reshape(-1), pred1d, anch, zeros_chunk)
    excl2 = jnp.pad(excl[: _B * _P].reshape(_B, _P), ((0, 0), (0, _PPAD - _P)))

    out = _tc_call(pr_t, t_rows, t_lanes, conf, excl2, boxes.reshape(4, _TPAD))
    return out[0, 0]

# --- scband reference (transcript-rebuilt; emitter-appended) ---
"""Pipeline reference for scband-yolo-loss-layer-43731357007998 (READ-ONLY COPY).

The authoritative reference and input builder live on the scoring server;
editing this copy changes nothing except your own understanding.
"""

import jax, jax.numpy as jnp
import numpy as np

CLASS_NUM = 80
IGNORE_THRESOLD = 0.5
COORD_SCALE = 1.0
CONF_SCALE = 1.0
CLS_SCALE = 1.0


def _corners(b):
    x1 = b[..., 0] - b[..., 2] / 2.0
    y1 = b[..., 1] - b[..., 3] / 2.0
    x2 = b[..., 0] + b[..., 2] / 2.0
    y2 = b[..., 1] + b[..., 3] / 2.0
    return x1, y1, x2, y2


def bboxes_iou_pairwise(a, b):
    ax1, ay1, ax2, ay2 = _corners(a)
    bx1, by1, bx2, by2 = _corners(b)
    ix1 = jnp.maximum(ax1[:, None], bx1[None, :])
    iy1 = jnp.maximum(ay1[:, None], by1[None, :])
    ix2 = jnp.minimum(ax2[:, None], bx2[None, :])
    iy2 = jnp.minimum(ay2[:, None], by2[None, :])
    inter = jnp.clip(ix2 - ix1, 0.0, None) * jnp.clip(iy2 - iy1, 0.0, None)
    area_a = (ax2 - ax1) * (ay2 - ay1)
    area_b = (bx2 - bx1) * (by2 - by1)
    return inter / (area_a[:, None] + area_b[None, :] - inter + 1e-16)


def bboxes_wh_iou(wh1, wh2):
    w1 = wh1[:, 0][:, None]
    h1 = wh1[:, 1][:, None]
    w2 = wh2[None, :, 0]
    h2 = wh2[None, :, 1]
    inter = jnp.minimum(w1, w2) * jnp.minimum(h1, h2)
    union = w1 * h1 + w2 * h2 - inter
    return inter / (union + 1e-16)


def bboxes_giou(a, b):
    ax1, ay1, ax2, ay2 = _corners(a)
    bx1, by1, bx2, by2 = _corners(b)
    inter = jnp.clip(jnp.minimum(ax2, bx2) - jnp.maximum(ax1, bx1), 0.0, None) * jnp.clip(jnp.minimum(ay2, by2) - jnp.maximum(ay1, by1), 0.0, None)
    area_a = (ax2 - ax1) * (ay2 - ay1)
    area_b = (bx2 - bx1) * (by2 - by1)
    union = area_a + area_b - inter
    iou = inter / (union + 1e-16)
    cw = jnp.maximum(ax2, bx2) - jnp.minimum(ax1, bx1)
    ch = jnp.maximum(ay2, by2) - jnp.minimum(ay1, by1)
    c_area = cw * ch + 1e-16
    return iou - (c_area - union) / c_area


def bce_logits(x, t):
    return jnp.maximum(x, 0.0) - x * t + jnp.log1p(jnp.exp(-jnp.abs(x)))


def setup_inputs(seed: int = 0):
    key = jax.random.key(seed)
    ks = jax.random.split(key, 6)
    B, T = 16, 200
    sizes = jnp.array([19, 38, 76], dtype=jnp.int32)
    P = int(3 * (19 ** 2 + 38 ** 2 + 76 ** 2))
    predictions = jax.random.normal(ks[0], (B, P, 5 + CLASS_NUM), dtype=jnp.float32)
    priori_boxes = jax.random.uniform(ks[1], (P, 4), dtype=jnp.float32, minval=0.02, maxval=0.6)
    tb = jax.random.randint(ks[2], (T,), 0, B).astype(jnp.float32)
    tl = jax.random.randint(ks[3], (T,), 0, CLASS_NUM).astype(jnp.float32)
    tc = jax.random.uniform(ks[4], (T, 2), dtype=jnp.float32, minval=0.05, maxval=0.95)
    twh = jax.random.uniform(ks[5], (T, 2), dtype=jnp.float32, minval=0.05, maxval=0.5)
    targets = jnp.concatenate([tb[:, None], tl[:, None], tc, twh], axis=1)
    return {"predictions": predictions, "priori_boxes": priori_boxes, "featuremap_sizes": sizes, "input_dim": 608, "targets": targets}


def reference(predictions, priori_boxes, featuremap_sizes, input_dim, targets):
    B = predictions.shape[0]
    P = priori_boxes.shape[0]
    sizes = jnp.asarray(featuremap_sizes, dtype=jnp.int32)
    cur = sizes[jnp.arange(9) // 3] ** 2
    scale_offset = jnp.concatenate([jnp.zeros((1,), dtype=cur.dtype), jnp.cumsum(cur)[:-1]])
    priori_wh = priori_boxes[scale_offset, 2:]
    pred_boxes = predictions[..., :4]
    pred_conf = predictions[..., 4]
    pred_cls = predictions[..., 5:]
    target_boxes = targets[:, 2:]
    tx = targets[:, 2]
    ty = targets[:, 3]
    tb = targets[:, 0].astype(jnp.int32)
    tl = targets[:, 1].astype(jnp.int32)
    t2p = bboxes_iou_pairwise(target_boxes, priori_boxes)
    ignore_mask = (t2p > IGNORE_THRESOLD).sum(axis=0) > 0
    whious = bboxes_wh_iou(target_boxes[:, 2:], priori_wh)
    ind = jnp.argmax(whious, axis=1)
    map_size = sizes[ind // 3]
    h = jnp.floor(ty * map_size).astype(jnp.int32)
    w = jnp.floor(tx * map_size).astype(jnp.int32)
    best = scale_offset[ind] + ind * map_size ** 2 + h * map_size + w
    pos_boxes = pred_boxes[tb, best]
    obj_mask = jnp.zeros((B, P), dtype=bool)
    noobj_mask = jnp.ones((B, P), dtype=bool).at[tb, best].set(False)
    noobj_mask = jnp.where(ignore_mask[None, :], False, noobj_mask)
    target_conf = jnp.zeros((B, P), dtype=predictions.dtype).at[tb, best].set(1.0)
    target_cls = jnp.zeros((B, P, CLASS_NUM), dtype=predictions.dtype).at[tb, best, tl].set(1.0)
    giou = bboxes_giou(pos_boxes, target_boxes)
    coeff = 2.0 - target_boxes[:, 2] * target_boxes[:, 3]
    giou_loss = (coeff * (1.0 - giou)).sum()
    bce_conf = bce_logits(pred_conf, target_conf)
    sig_conf = jax.nn.sigmoid(pred_conf)
    positive_conf_loss = jnp.where(obj_mask, 0.25 * (1.0 - sig_conf) ** 2 * bce_conf, 0.0).sum()
    negative_conf_loss = jnp.where(noobj_mask, sig_conf ** 2 * bce_conf, 0.0).sum()
    cls_loss = jnp.where(obj_mask[..., None], bce_logits(pred_cls, target_cls), 0.0).sum()
    giou_loss = COORD_SCALE * giou_loss / B
    conf_loss = CONF_SCALE * (positive_conf_loss + negative_conf_loss) / B
    cls_loss = CLS_SCALE * cls_loss / B
    return giou_loss + conf_loss + cls_loss

if __name__ == "__main__":
    import jax
    _d = setup_inputs()
    print(jax.jit(kernel)(*tuple(_d.values())))

</pallas_src>

<mosaic_0001>
#map = affine_map<(d0, d1) -> (0)>
module attributes {stable_mosaic.version = 14 : i64} {
  func.func @_sc_body(%arg0: i32, %arg1: i32, %arg2: memref<2048xf32, #tpu.memory_space<hbm>>, %arg3: memref<30930480xf32, #tpu.memory_space<hbm>>, %arg4: memref<288xf32, #tpu.memory_space<hbm>>, %arg5: memref<22752xf32, #tpu.memory_space<hbm>>, %arg6: memref<364032xf32, #tpu.memory_space<hbm>>, %arg7: memref<1024xf32, #tpu.memory_space<hbm>>, %arg8: memref<2048xf32, #tpu.memory_space<vmem>>, %arg9: memref<288xf32, #tpu.memory_space<vmem>>, %arg10: memref<16xi32, #tpu.memory_space<vmem>>, %arg11: memref<16xi32, #tpu.memory_space<vmem>>, %arg12: memref<16xf32, #tpu.memory_space<vmem>>, %arg13: memref<16xf32, #tpu.memory_space<vmem>>, %arg14: memref<22752xf32, #tpu.memory_space<vmem>>, %arg15: memref<!tpu.dma_semaphore, #tpu.memory_space<semaphore_mem>>) attributes {dimension_semantics = [#tpu.dimension_semantics<core_parallel>, #tpu.dimension_semantics<subcore_parallel>], iteration_bounds = array<i64: 2, 16>, scalar_prefetch = 0 : i64, scratch_operands = 8 : i64, tpu.core_type = #tpu.core_type<sc_vector_subcore>, window_params = [{transform_indices = #map}, {transform_indices = #map}, {transform_indices = #map}, {transform_indices = #map}, {transform_indices = #map}, {transform_indices = #map}]} {
    %eq3A = arith.constant 0 : i32
    %eq3A_0 = arith.cmpi eq, %arg0, %eq3A : i32
    %eq3A_1 = arith.constant 0 : i32
    %eq3A_2 = arith.cmpi eq, %arg1, %eq3A_1 : i32
    %and3A = arith.andi %eq3A_0, %eq3A_2 : i1
    %convert_element_type3A = arith.extui %and3A : i1 to i32
    %cond3A = arith.constant 0 : i32
    %cond3A_3 = arith.cmpi ne, %convert_element_type3A, %cond3A : i32
    scf.if %cond3A_3 {
      "tpu.region"() ({
        %run_scoped3A = tpu.sem_alloc : memref<!tpu.dma_semaphore, #tpu.memory_space<semaphore_mem>>
        tpu.enqueue_dma source(%arg5 : memref<22752xf32, #tpu.memory_space<hbm>>) target(%arg14 : memref<22752xf32, #tpu.memory_space<vmem>>) target_semaphore(%run_scoped3A : memref<!tpu.dma_semaphore, #tpu.memory_space<semaphore_mem>>)
        tpu.wait_dma2 semaphore(%run_scoped3A : memref<!tpu.dma_semaphore, #tpu.memory_space<semaphore_mem>>) src(%arg5 : memref<22752xf32, #tpu.memory_space<hbm>>) dst(%arg14 : memref<22752xf32, #tpu.memory_space<vmem>>)
        tpu.yield
      }) : () -> ()
      "tpu.region"() ({
        %run_scoped3A = tpu.sem_alloc : memref<!tpu.dma_semaphore, #tpu.memory_space<semaphore_mem>>
        %dma_start3A = arith.constant 0 : i32
        %dma_start3A_4 = tpu.memref_slice %arg6[%dma_start3A] : memref<364032xf32, #tpu.memory_space<hbm>> -> memref<22752xf32, #tpu.memory_space<hbm>>
        %dma_start3A_5 = arith.constant 0 : i32
        %dma_start3A_6 = tpu.memref_slice %arg6[%dma_start3A_5] : memref<364032xf32, #tpu.memory_space<hbm>> -> memref<22752xf32, #tpu.memory_space<hbm>>
        tpu.enqueue_dma source(%arg14 : memref<22752xf32, #tpu.memory_space<vmem>>) target(%dma_start3A_6 : memref<22752xf32, #tpu.memory_space<hbm>>) target_semaphore(%run_scoped3A : memref<!tpu.dma_semaphore, #tpu.memory_space<semaphore_mem>>)
        %dma_wait3A = arith.constant 0 : i32
        %dma_wait3A_7 = tpu.memref_slice %arg6[%dma_wait3A] : memref<364032xf32, #tpu.memory_space<hbm>> -> memref<22752xf32, #tpu.memory_space<hbm>>
        %dma_wait3A_8 = arith.constant 0 : i32
        %dma_wait3A_9 = tpu.memref_slice %arg6[%dma_wait3A_8] : memref<364032xf32, #tpu.memory_space<hbm>> -> memref<22752xf32, #tpu.memory_space<hbm>>
        tpu.wait_dma2 semaphore(%run_scoped3A : memref<!tpu.dma_semaphore, #tpu.memory_space<semaphore_mem>>) src(%arg14 : memref<22752xf32, #tpu.memory_space<vmem>>) dst(%dma_wait3A_9 : memref<22752xf32, #tpu.memory_space<hbm>>)
        tpu.yield
      }) : () -> ()
    } else {
    }
    return
  }
}

module attributes {stable_mosaic.version = 14 : i64} {
  func.func @_tc_body(%arg0: i32, %arg1: memref<4x1024xf32, #tpu.memory_space<vmem>>, %arg2: memref<256x8xf32, #tpu.memory_space<vmem>>, %arg3: memref<8x256xf32, #tpu.memory_space<vmem>>, %arg4: memref<16x1024xf32, #tpu.memory_space<vmem>>, %arg5: memref<16x1024xf32, #tpu.memory_space<vmem>>, %arg6: memref<4x256xf32, #tpu.memory_space<vmem>>, %arg7: memref<1x1xf32, #tpu.memory_space<vmem>>) attributes {dimension_semantics = [#tpu.dimension_semantics<arbitrary>], iteration_bounds = array<i64: 23>, scalar_prefetch = 0 : i64, scratch_operands = 0 : i64, tpu.core_type = #tpu.core_type<tc>, window_params = [{transform_indices = @transform_0, window_bounds = array<i64: 4, 1024>}, {pipeline_mode = #tpu.pipeline_mode<synchronous>, transform_indices = @transform_1, window_bounds = array<i64: 256, 8>}, {pipeline_mode = #tpu.pipeline_mode<synchronous>, transform_indices = @transform_2, window_bounds = array<i64: 8, 256>}, {transform_indices = @transform_3, window_bounds = array<i64: 16, 1024>}, {transform_indices = @transform_4, window_bounds = array<i64: 16, 1024>}, {pipeline_mode = #tpu.pipeline_mode<synchronous>, transform_indices = @transform_5, window_bounds = array<i64: 4, 256>}, {pipeline_mode = #tpu.pipeline_mode<synchronous>, transform_indices = @transform_6, window_bounds = array<i64: 1, 1>}]} {
    %get3A = arith.constant 0 : index
    %get3A_0 = arith.constant 0 : index
    %get3A_1 = vector.load %arg1[%get3A, %get3A_0] : memref<4x1024xf32, #tpu.memory_space<vmem>>, vector<1x1024xf32>
    %get3A_2 = arith.constant 1 : index
    %get3A_3 = arith.constant 0 : index
    %get3A_4 = vector.load %arg1[%get3A_2, %get3A_3] : memref<4x1024xf32, #tpu.memory_space<vmem>>, vector<1x1024xf32>
    %get3A_5 = arith.constant 2 : index
    %get3A_6 = arith.constant 0 : index
    %get3A_7 = vector.load %arg1[%get3A_5, %get3A_6] : memref<4x1024xf32, #tpu.memory_space<vmem>>, vector<1x1024xf32>
    %get3A_8 = arith.constant 3 : index
    %get3A_9 = arith.constant 0 : index
    %get3A_10 = vector.load %arg1[%get3A_8, %get3A_9] : memref<4x1024xf32, #tpu.memory_space<vmem>>, vector<1x1024xf32>
    %mul3A = arith.constant 5.000000e-01 : f32
    %mul3A_11 = vector.broadcast %mul3A : f32 to vector<1x1024xf32>
    %mul3A_12 = arith.mulf %get3A_7, %mul3A_11 : vector<1x1024xf32>
    %sub3A = arith.subf %get3A_1, %mul3A_12 : vector<1x1024xf32>
    %mul3A_13 = arith.constant 5.000000e-01 : f32
    %mul3A_14 = vector.broadcast %mul3A_13 : f32 to vector<1x1024xf32>
    %mul3A_15 = arith.mulf %get3A_10, %mul3A_14 : vector<1x1024xf32>
    %sub3A_16 = arith.subf %get3A_4, %mul3A_15 : vector<1x1024xf32>
    %mul3A_17 = arith.constant 5.000000e-01 : f32
    %mul3A_18 = vector.broadcast %mul3A_17 : f32 to vector<1x1024xf32>
    %mul3A_19 = arith.mulf %get3A_7, %mul3A_18 : vector<1x1024xf32>
    %add3A = arith.addf %get3A_1, %mul3A_19 : vector<1x1024xf32>
    %mul3A_20 = arith.constant 5.000000e-01 : f32
    %mul3A_21 = vector.broadcast %mul3A_20 : f32 to vector<1x1024xf32>
    %mul3A_22 = arith.mulf %get3A_10, %mul3A_21 : vector<1x1024xf32>
    %add3A_23 = arith.addf %get3A_4, %mul3A_22 : vector<1x1024xf32>
    %get3A_24 = arith.constant 0 : index
    %get3A_25 = arith.constant 2 : index
    %get3A_26 = vector.load %arg2[%get3A_24, %get3A_25] : memref<256x8xf32, #tpu.memory_space<vmem>>, vector<256x1xf32>
    %get3A_27 = arith.constant 0 : index
    %get3A_28 = arith.constant 3 : index
    %get3A_29 = vector.load %arg2[%get3A_27, %get3A_28] : memref<256x8xf32, #tpu.memory_space<vmem>>, vector<256x1xf32>
    %get3A_30 = arith.constant 0 : index
    %get3A_31 = arith.constant 4 : index
    %get3A_32 = vector.load %arg2[%get3A_30, %get3A_31] : memref<256x8xf32, #tpu.memory_space<vmem>>, vector<256x1xf32>
    %get3A_33 = arith.constant 0 : index
    %get3A_34 = arith.constant 5 : index
    %get3A_35 = vector.load %arg2[%get3A_33, %get3A_34] : memref<256x8xf32, #tpu.memory_space<vmem>>, vector<256x1xf32>
    %mul3A_36 = arith.constant 5.000000e-01 : f32
    %mul3A_37 = vector.broadcast %mul3A_36 : f32 to vector<256x1xf32>
    %mul3A_38 = arith.mulf %get3A_32, %mul3A_37 : vector<256x1xf32>
    %sub3A_39 = arith.subf %get3A_26, %mul3A_38 : vector<256x1xf32>
    %mul3A_40 = arith.constant 5.000000e-01 : f32
    %mul3A_41 = vector.broadcast %mul3A_40 : f32 to vector<256x1xf32>
    %mul3A_42 = arith.mulf %get3A_35, %mul3A_41 : vector<256x1xf32>
    %sub3A_43 = arith.subf %get3A_29, %mul3A_42 : vector<256x1xf32>
    %mul3A_44 = arith.constant 5.000000e-01 : f32
    %mul3A_45 = vector.broadcast %mul3A_44 : f32 to vector<256x1xf32>
    %mul3A_46 = arith.mulf %get3A_32, %mul3A_45 : vector<256x1xf32>
    %add3A_47 = arith.addf %get3A_26, %mul3A_46 : vector<256x1xf32>
    %mul3A_48 = arith.constant 5.000000e-01 : f32
    %mul3A_49 = vector.broadcast %mul3A_48 : f32 to vector<256x1xf32>
    %mul3A_50 = arith.mulf %get3A_35, %mul3A_49 : vector<256x1xf32>
    %add3A_51 = arith.addf %get3A_29, %mul3A_50 : vector<256x1xf32>
    %max3A = vector.broadcast %sub3A_39 : vector<256x1xf32> to vector<256x1024xf32>
    %max3A_52 = vector.broadcast %sub3A : vector<1x1024xf32> to vector<256x1024xf32>
    %max3A_53 = arith.maximumf %max3A, %max3A_52 : vector<256x1024xf32>
    %max3A_54 = vector.broadcast %sub3A_43 : vector<256x1xf32> to vector<256x1024xf32>
    %max3A_55 = vector.broadcast %sub3A_16 : vector<1x1024xf32> to vector<256x1024xf32>
    %max3A_56 = arith.maximumf %max3A_54, %max3A_55 : vector<256x1024xf32>
    %min3A = vector.broadcast %add3A_47 : vector<256x1xf32> to vector<256x1024xf32>
    %min3A_57 = vector.broadcast %add3A : vector<1x1024xf32> to vector<256x1024xf32>
    %min3A_58 = arith.minimumf %min3A, %min3A_57 : vector<256x1024xf32>
    %min3A_59 = vector.broadcast %add3A_51 : vector<256x1xf32> to vector<256x1024xf32>
    %min3A_60 = vector.broadcast %add3A_23 : vector<1x1024xf32> to vector<256x1024xf32>
    %min3A_61 = arith.minimumf %min3A_59, %min3A_60 : vector<256x1024xf32>
    %sub3A_62 = arith.subf %min3A_58, %max3A_53 : vector<256x1024xf32>
    %max3A_63 = arith.constant 0.000000e+00 : f32
    %max3A_64 = vector.broadcast %max3A_63 : f32 to vector<256x1024xf32>
    %max3A_65 = arith.maximumf %sub3A_62, %max3A_64 : vector<256x1024xf32>
    %sub3A_66 = arith.subf %min3A_61, %max3A_56 : vector<256x1024xf32>
    %max3A_67 = arith.constant 0.000000e+00 : f32
    %max3A_68 = vector.broadcast %max3A_67 : f32 to vector<256x1024xf32>
    %max3A_69 = arith.maximumf %sub3A_66, %max3A_68 : vector<256x1024xf32>
    %mul3A_70 = arith.mulf %max3A_65, %max3A_69 : vector<256x1024xf32>
    %sub3A_71 = arith.subf %add3A_47, %sub3A_39 : vector<256x1xf32>
    %sub3A_72 = arith.subf %add3A_51, %sub3A_43 : vector<256x1xf32>
    %mul3A_73 = arith.mulf %sub3A_71, %sub3A_72 : vector<256x1xf32>
    %sub3A_74 = arith.subf %add3A, %sub3A : vector<1x1024xf32>
    %sub3A_75 = arith.subf %add3A_23, %sub3A_16 : vector<1x1024xf32>
    %mul3A_76 = arith.mulf %sub3A_74, %sub3A_75 : vector<1x1024xf32>
    %add3A_77 = vector.broadcast %mul3A_73 : vector<256x1xf32> to vector<256x1024xf32>
    %add3A_78 = vector.broadcast %mul3A_76 : vector<1x1024xf32> to vector<256x1024xf32>
    %add3A_79 = arith.addf %add3A_77, %add3A_78 : vector<256x1024xf32>
    %sub3A_80 = arith.subf %add3A_79, %mul3A_70 : vector<256x1024xf32>
    %add3A_81 = arith.constant 1.000000e-16 : f32
    %add3A_82 = vector.broadcast %add3A_81 : f32 to vector<256x1024xf32>
    %add3A_83 = arith.addf %sub3A_80, %add3A_82 : vector<256x1024xf32>
    %div3A = arith.divf %mul3A_70, %add3A_83 : vector<256x1024xf32>
    %reduce_max3A = arith.constant dense<0xFF800000> : vector<1024xf32>
    %reduce_max3A_84 = vector.multi_reduction <maximumf>, %div3A, %reduce_max3A [0] : vector<256x1024xf32> to vector<1024xf32>
    %broadcast_in_dim3A = vector.shape_cast %reduce_max3A_84 : vector<1024xf32> to vector<1x1024xf32>
    %gt3A = arith.constant 5.000000e-01 : f32
    %gt3A_85 = vector.broadcast %gt3A : f32 to vector<1x1024xf32>
    %gt3A_86 = arith.cmpf ogt, %broadcast_in_dim3A, %gt3A_85 : vector<1x1024xf32>
    %iota3A = tpu.iota {dimensions = array<i32: 1>} : vector<1x1024xi32>
    %mul3A_87 = arith.constant 1024 : i32
    %mul3A_88 = arith.muli %arg0, %mul3A_87 : i32
    %add3A_89 = vector.broadcast %mul3A_88 : i32 to vector<1x1024xi32>
    %add3A_90 = arith.addi %add3A_89, %iota3A : vector<1x1024xi32>
    %lt3A = arith.constant 22743 : i32
    %lt3A_91 = vector.broadcast %lt3A : i32 to vector<1x1024xi32>
    %lt3A_92 = arith.cmpi slt, %add3A_90, %lt3A_91 : vector<1x1024xi32>
    %get3A_93 = arith.constant 0 : index
    %get3A_94 = arith.constant 0 : index
    %get3A_95 = vector.load %arg4[%get3A_93, %get3A_94] : memref<16x1024xf32, #tpu.memory_space<vmem>>, vector<16x1024xf32>
    %neg3A = arith.constant 0.000000e+00 : f32
    %neg3A_96 = vector.broadcast %neg3A : f32 to vector<16x1024xf32>
    %neg3A_97 = arith.subf %neg3A_96, %get3A_95 : vector<16x1024xf32>
    %exp3A = math.exp %neg3A_97 : vector<16x1024xf32>
    %add3A_98 = arith.constant 1.000000e+00 : f32
    %add3A_99 = vector.broadcast %add3A_98 : f32 to vector<16x1024xf32>
    %add3A_100 = arith.addf %add3A_99, %exp3A : vector<16x1024xf32>
    %div3A_101 = arith.constant 1.000000e+00 : f32
    %div3A_102 = vector.broadcast %div3A_101 : f32 to vector<16x1024xf32>
    %div3A_103 = arith.divf %div3A_102, %add3A_100 : vector<16x1024xf32>
    %max3A_104 = arith.constant 0.000000e+00 : f32
    %max3A_105 = vector.broadcast %max3A_104 : f32 to vector<16x1024xf32>
    %max3A_106 = arith.maximumf %get3A_95, %max3A_105 : vector<16x1024xf32>
    %abs3A = math.absf %get3A_95 : vector<16x1024xf32>
    %neg3A_107 = arith.constant 0.000000e+00 : f32
    %neg3A_108 = vector.broadcast %neg3A_107 : f32 to vector<16x1024xf32>
    %neg3A_109 = arith.subf %neg3A_108, %abs3A : vector<16x1024xf32>
    %exp3A_110 = math.exp %neg3A_109 : vector<16x1024xf32>
    %log1p3A = math.log1p %exp3A_110 : vector<16x1024xf32>
    %add3A_111 = arith.addf %max3A_106, %log1p3A : vector<16x1024xf32>
    %mul3A_112 = arith.mulf %div3A_103, %div3A_103 : vector<16x1024xf32>
    %mul3A_113 = arith.mulf %mul3A_112, %add3A_111 : vector<16x1024xf32>
    %not3A = arith.constant dense<true> : vector<1x1024xi1>
    %not3A_114 = arith.xori %gt3A_86, %not3A : vector<1x1024xi1>
    %and3A = arith.andi %not3A_114, %lt3A_92 : vector<1x1024xi1>
    %get3A_115 = arith.constant 0 : index
    %get3A_116 = arith.constant 0 : index
    %get3A_117 = vector.load %arg5[%get3A_115, %get3A_116] : memref<16x1024xf32, #tpu.memory_space<vmem>>, vector<16x1024xf32>
    %eq3A = arith.constant 0.000000e+00 : f32
    %eq3A_118 = vector.broadcast %eq3A : f32 to vector<16x1024xf32>
    %eq3A_119 = arith.cmpf oeq, %get3A_117, %eq3A_118 : vector<16x1024xf32>
    %and3A_120 = vector.broadcast %and3A : vector<1x1024xi1> to vector<16x1024xi1>
    %and3A_121 = arith.andi %and3A_120, %eq3A_119 : vector<16x1024xi1>
    %jit3A = arith.constant 0.000000e+00 : f32
    %broadcast_in_dim3A_122 = vector.broadcast %jit3A : f32 to vector<16x1024xf32>
    %select_n3A = arith.select %and3A_121, %mul3A_113, %broadcast_in_dim3A_122 : vector<16x1024xi1>, vector<16x1024xf32>
    %reduce_sum3A = vector.shape_cast %select_n3A : vector<16x1024xf32> to vector<1x16x1024xf32>
    %reduce_sum3A_123 = arith.constant dense<0.000000e+00> : vector<1xf32>
    %reduce_sum3A_124 = vector.multi_reduction <add>, %reduce_sum3A, %reduce_sum3A_123 [1, 2] : vector<1x16x1024xf32> to vector<1xf32>
    %reduce_sum3A_125 = vector.shape_cast %reduce_sum3A_124 : vector<1xf32> to vector<1x1x1xf32>
    %reduce_sum3A_126 = vector.extract %reduce_sum3A_125[0, 0, 0] : f32 from vector<1x1x1xf32>
    %eq3A_127 = arith.constant 0 : i32
    %eq3A_128 = arith.cmpi eq, %arg0, %eq3A_127 : i32
    %convert_element_type3A = arith.extui %eq3A_128 : i1 to i32
    %cond3A = arith.constant 0 : i32
    %cond3A_129 = arith.cmpi ne, %convert_element_type3A, %cond3A : i32
    scf.if %cond3A_129 {
      %get3A_141 = arith.constant 0 : index
      %get3A_142 = arith.constant 0 : index
      %get3A_143 = vector.load %arg6[%get3A_141, %get3A_142] : memref<4x256xf32, #tpu.memory_space<vmem>>, vector<1x256xf32>
      %get3A_144 = arith.constant 1 : index
      %get3A_145 = arith.constant 0 : index
      %get3A_146 = vector.load %arg6[%get3A_144, %get3A_145] : memref<4x256xf32, #tpu.memory_space<vmem>>, vector<1x256xf32>
      %get3A_147 = arith.constant 2 : index
      %get3A_148 = arith.constant 0 : index
      %get3A_149 = vector.load %arg6[%get3A_147, %get3A_148] : memref<4x256xf32, #tpu.memory_space<vmem>>, vector<1x256xf32>
      %get3A_150 = arith.constant 3 : index
      %get3A_151 = arith.constant 0 : index
      %get3A_152 = vector.load %arg6[%get3A_150, %get3A_151] : memref<4x256xf32, #tpu.memory_space<vmem>>, vector<1x256xf32>
      %get3A_153 = arith.constant 2 : index
      %get3A_154 = arith.constant 0 : index
      %get3A_155 = vector.load %arg3[%get3A_153, %get3A_154] : memref<8x256xf32, #tpu.memory_space<vmem>>, vector<1x256xf32>
      %get3A_156 = arith.constant 3 : index
      %get3A_157 = arith.constant 0 : index
      %get3A_158 = vector.load %arg3[%get3A_156, %get3A_157] : memref<8x256xf32, #tpu.memory_space<vmem>>, vector<1x256xf32>
      %get3A_159 = arith.constant 4 : index
      %get3A_160 = arith.constant 0 : index
      %get3A_161 = vector.load %arg3[%get3A_159, %get3A_160] : memref<8x256xf32, #tpu.memory_space<vmem>>, vector<1x256xf32>
      %get3A_162 = arith.constant 5 : index
      %get3A_163 = arith.constant 0 : index
      %get3A_164 = vector.load %arg3[%get3A_162, %get3A_163] : memref<8x256xf32, #tpu.memory_space<vmem>>, vector<1x256xf32>
      %mul3A_165 = arith.constant 5.000000e-01 : f32
      %mul3A_166 = vector.broadcast %mul3A_165 : f32 to vector<1x256xf32>
      %mul3A_167 = arith.mulf %get3A_149, %mul3A_166 : vector<1x256xf32>
      %sub3A_168 = arith.subf %get3A_143, %mul3A_167 : vector<1x256xf32>
      %mul3A_169 = arith.constant 5.000000e-01 : f32
      %mul3A_170 = vector.broadcast %mul3A_169 : f32 to vector<1x256xf32>
      %mul3A_171 = arith.mulf %get3A_152, %mul3A_170 : vector<1x256xf32>
      %sub3A_172 = arith.subf %get3A_146, %mul3A_171 : vector<1x256xf32>
      %mul3A_173 = arith.constant 5.000000e-01 : f32
      %mul3A_174 = vector.broadcast %mul3A_173 : f32 to vector<1x256xf32>
      %mul3A_175 = arith.mulf %get3A_149, %mul3A_174 : vector<1x256xf32>
      %add3A_176 = arith.addf %get3A_143, %mul3A_175 : vector<1x256xf32>
      %mul3A_177 = arith.constant 5.000000e-01 : f32
      %mul3A_178 = vector.broadcast %mul3A_177 : f32 to vector<1x256xf32>
      %mul3A_179 = arith.mulf %get3A_152, %mul3A_178 : vector<1x256xf32>
      %add3A_180 = arith.addf %get3A_146, %mul3A_179 : vector<1x256xf32>
      %mul3A_181 = arith.constant 5.000000e-01 : f32
      %mul3A_182 = vector.broadcast %mul3A_181 : f32 to vector<1x256xf32>
      %mul3A_183 = arith.mulf %get3A_161, %mul3A_182 : vector<1x256xf32>
      %sub3A_184 = arith.subf %get3A_155, %mul3A_183 : vector<1x256xf32>
      %mul3A_185 = arith.constant 5.000000e-01 : f32
      %mul3A_186 = vector.broadcast %mul3A_185 : f32 to vector<1x256xf32>
      %mul3A_187 = arith.mulf %get3A_164, %mul3A_186 : vector<1x256xf32>
      %sub3A_188 = arith.subf %get3A_158, %mul3A_187 : vector<1x256xf32>
      %mul3A_189 = arith.constant 5.000000e-01 : f32
      %mul3A_190 = vector.broadcast %mul3A_189 : f32 to vector<1x256xf32>
      %mul3A_191 = arith.mulf %get3A_161, %mul3A_190 : vector<1x256xf32>
      %add3A_192 = arith.addf %get3A_155, %mul3A_191 : vector<1x256xf32>
      %mul3A_193 = arith.constant 5.000000e-01 : f32
      %mul3A_194 = vector.broadcast %mul3A_193 : f32 to vector<1x256xf32>
      %mul3A_195 = arith.mulf %get3A_164, %mul3A_194 : vector<1x256xf32>
      %add3A_196 = arith.addf %get3A_158, %mul3A_195 : vector<1x256xf32>
      %min3A_197 = arith.minimumf %add3A_176, %add3A_192 : vector<1x256xf32>
      %max3A_198 = arith.maximumf %sub3A_168, %sub3A_184 : vector<1x256xf32>
      %sub3A_199 = arith.subf %min3A_197, %max3A_198 : vector<1x256xf32>
      %max3A_200 = arith.constant 0.000000e+00 : f32
      %max3A_201 = vector.broadcast %max3A_200 : f32 to vector<1x256xf32>
      %max3A_202 = arith.maximumf %sub3A_199, %max3A_201 : vector<1x256xf32>
      %min3A_203 = arith.minimumf %add3A_180, %add3A_196 : vector<1x256xf32>
      %max3A_204 = arith.maximumf %sub3A_172, %sub3A_188 : vector<1x256xf32>
      %sub3A_205 = arith.subf %min3A_203, %max3A_204 : vector<1x256xf32>
      %max3A_206 = arith.constant 0.000000e+00 : f32
      %max3A_207 = vector.broadcast %max3A_206 : f32 to vector<1x256xf32>
      %max3A_208 = arith.maximumf %sub3A_205, %max3A_207 : vector<1x256xf32>
      %mul3A_209 = arith.mulf %max3A_202, %max3A_208 : vector<1x256xf32>
      %sub3A_210 = arith.subf %add3A_176, %sub3A_168 : vector<1x256xf32>
      %sub3A_211 = arith.subf %add3A_180, %sub3A_172 : vector<1x256xf32>
      %mul3A_212 = arith.mulf %sub3A_210, %sub3A_211 : vector<1x256xf32>
      %sub3A_213 = arith.subf %add3A_192, %sub3A_184 : vector<1x256xf32>
      %sub3A_214 = arith.subf %add3A_196, %sub3A_188 : vector<1x256xf32>
      %mul3A_215 = arith.mulf %sub3A_213, %sub3A_214 : vector<1x256xf32>
      %add3A_216 = arith.addf %mul3A_212, %mul3A_215 : vector<1x256xf32>
      %sub3A_217 = arith.subf %add3A_216, %mul3A_209 : vector<1x256xf32>
      %add3A_218 = arith.constant 1.000000e-16 : f32
      %add3A_219 = vector.broadcast %add3A_218 : f32 to vector<1x256xf32>
      %add3A_220 = arith.addf %sub3A_217, %add3A_219 : vector<1x256xf32>
      %div3A_221 = arith.divf %mul3A_209, %add3A_220 : vector<1x256xf32>
      %max3A_222 = arith.maximumf %add3A_176, %add3A_192 : vector<1x256xf32>
      %min3A_223 = arith.minimumf %sub3A_168, %sub3A_184 : vector<1x256xf32>
      %sub3A_224 = arith.subf %max3A_222, %min3A_223 : vector<1x256xf32>
      %max3A_225 = arith.maximumf %add3A_180, %add3A_196 : vector<1x256xf32>
      %min3A_226 = arith.minimumf %sub3A_172, %sub3A_188 : vector<1x256xf32>
      %sub3A_227 = arith.subf %max3A_225, %min3A_226 : vector<1x256xf32>
      %mul3A_228 = arith.mulf %sub3A_224, %sub3A_227 : vector<1x256xf32>
      %add3A_229 = arith.constant 1.000000e-16 : f32
      %add3A_230 = vector.broadcast %add3A_229 : f32 to vector<1x256xf32>
      %add3A_231 = arith.addf %mul3A_228, %add3A_230 : vector<1x256xf32>
      %sub3A_232 = arith.subf %add3A_231, %sub3A_217 : vector<1x256xf32>
      %div3A_233 = arith.divf %sub3A_232, %add3A_231 : vector<1x256xf32>
      %sub3A_234 = arith.subf %div3A_221, %div3A_233 : vector<1x256xf32>
      %mul3A_235 = arith.mulf %get3A_161, %get3A_164 : vector<1x256xf32>
      %sub3A_236 = arith.constant 2.000000e+00 : f32
      %sub3A_237 = vector.broadcast %sub3A_236 : f32 to vector<1x256xf32>
      %sub3A_238 = arith.subf %sub3A_237, %mul3A_235 : vector<1x256xf32>
      %iota3A_239 = tpu.iota {dimensions = array<i32: 1>} : vector<1x256xi32>
      %lt3A_240 = arith.constant 200 : i32
      %lt3A_241 = vector.broadcast %lt3A_240 : i32 to vector<1x256xi32>
      %lt3A_242 = arith.cmpi slt, %iota3A_239, %lt3A_241 : vector<1x256xi32>
      %sub3A_243 = arith.constant 1.000000e+00 : f32
      %sub3A_244 = vector.broadcast %sub3A_243 : f32 to vector<1x256xf32>
      %sub3A_245 = arith.subf %sub3A_244, %sub3A_234 : vector<1x256xf32>
      %mul3A_246 = arith.mulf %sub3A_238, %sub3A_245 : vector<1x256xf32>
      %jit3A_247 = arith.constant 0.000000e+00 : f32
      %broadcast_in_dim3A_248 = vector.broadcast %jit3A_247 : f32 to vector<1x256xf32>
      %select_n3A_249 = arith.select %lt3A_242, %mul3A_246, %broadcast_in_dim3A_248 : vector<1x256xi1>, vector<1x256xf32>
      %reduce_sum3A_250 = vector.shape_cast %select_n3A_249 : vector<1x256xf32> to vector<1x1x256xf32>
      %reduce_sum3A_251 = arith.constant dense<0.000000e+00> : vector<1xf32>
      %reduce_sum3A_252 = vector.multi_reduction <add>, %reduce_sum3A_250, %reduce_sum3A_251 [1, 2] : vector<1x1x256xf32> to vector<1xf32>
      %reduce_sum3A_253 = vector.shape_cast %reduce_sum3A_252 : vector<1xf32> to vector<1x1x1xf32>
      %reduce_sum3A_254 = vector.extract %reduce_sum3A_253[0, 0, 0] : f32 from vector<1x1x1xf32>
      %reshape3A_255 = vector.broadcast %reduce_sum3A_254 : f32 to vector<1x1xf32>
      %swap3A_256 = arith.constant 0 : index
      %swap3A_257 = arith.constant 0 : index
      %swap3A_258 = vector.load %arg7[%swap3A_256, %swap3A_257] : memref<1x1xf32, #tpu.memory_space<vmem>>, vector<1x1xf32>
      tpu.vector_store %arg7[%swap3A_256, %swap3A_257], %reshape3A_255 {strides = array<i32>} : memref<1x1xf32, #tpu.memory_space<vmem>>, vector<1x1xf32>,
    } else {
    }
    %get3A_130 = arith.constant 0 : index
    %get3A_131 = arith.constant 0 : index
    %get3A_132 = vector.load %arg7[%get3A_130, %get3A_131] : memref<1x1xf32, #tpu.memory_space<vmem>>, vector<1x1xf32>
    %reshape3A = vector.broadcast %reduce_sum3A_126 : f32 to vector<1x1xf32>
    %add3A_133 = arith.addf %get3A_132, %reshape3A : vector<1x1xf32>
    %swap3A = arith.constant 0 : index
    %swap3A_134 = arith.constant 0 : index
    %swap3A_135 = vector.load %arg7[%swap3A, %swap3A_134] : memref<1x1xf32, #tpu.memory_space<vmem>>, vector<1x1xf32>
    tpu.vector_store %arg7[%swap3A, %swap3A_134], %add3A_133 {strides = array<i32>} : memref<1x1xf32, #tpu.memory_space<vmem>>, vector<1x1xf32>,
    %eq3A_136 = arith.constant 22 : i32
    %eq3A_137 = arith.cmpi eq, %arg0, %eq3A_136 : i32
    %convert_element_type3A_138 = arith.extui %eq3A_137 : i1 to i32
    %cond3A_139 = arith.constant 0 : i32
    %cond3A_140 = arith.cmpi ne, %convert_element_type3A_138, %cond3A_139 : i32
    scf.if %cond3A_140 {
      %get3A_141 = arith.constant 0 : index
      %get3A_142 = arith.constant 0 : index
      %get3A_143 = vector.load %arg7[%get3A_141, %get3A_142] : memref<1x1xf32, #tpu.memory_space<vmem>>, vector<1x1xf32>
      %mul3A_144 = arith.constant 6.250000e-02 : f32
      %mul3A_145 = vector.broadcast %mul3A_144 : f32 to vector<1x1xf32>
      %mul3A_146 = arith.mulf %get3A_143, %mul3A_145 : vector<1x1xf32>
      %swap3A_147 = arith.constant 0 : index
      %swap3A_148 = arith.constant 0 : index
      %swap3A_149 = vector.load %arg7[%swap3A_147, %swap3A_148] : memref<1x1xf32, #tpu.memory_space<vmem>>, vector<1x1xf32>
      tpu.vector_store %arg7[%swap3A_147, %swap3A_148], %mul3A_146 {strides = array<i32>} : memref<1x1xf32, #tpu.memory_space<vmem>>, vector<1x1xf32>,
    } else {
    }
    return
  }
  func.func @transform_0(%arg0: i32) -> (i32, i32) {
    %c0_i32 = arith.constant 0 : i32
    %c0_i32_0 = arith.constant 0 : i32
    return %c0_i32, %arg0 : i32, i32
  }
  func.func @transform_1(%arg0: i32) -> (i32, i32) {
    %c0_i32 = arith.constant 0 : i32
    %c0_i32_0 = arith.constant 0 : i32
    %c0_i32_1 = arith.constant 0 : i32
    return %c0_i32, %c0_i32_0 : i32, i32
  }
  func.func @transform_2(%arg0: i32) -> (i32, i32) {
    %c0_i32 = arith.constant 0 : i32
    %c0_i32_0 = arith.constant 0 : i32
    %c0_i32_1 = arith.constant 0 : i32
    return %c0_i32, %c0_i32_0 : i32, i32
  }
  func.func @transform_3(%arg0: i32) -> (i32, i32) {
    %c0_i32 = arith.constant 0 : i32
    %c0_i32_0 = arith.constant 0 : i32
    return %c0_i32, %arg0 : i32, i32
  }
  func.func @transform_4(%arg0: i32) -> (i32, i32) {
    %c0_i32 = arith.constant 0 : i32
    %c0_i32_0 = arith.constant 0 : i32
    return %c0_i32, %arg0 : i32, i32
  }
  func.func @transform_5(%arg0: i32) -> (i32, i32) {
    %c0_i32 = arith.constant 0 : i32
    %c0_i32_0 = arith.constant 0 : i32
    %c0_i32_1 = arith.constant 0 : i32
    return %c0_i32, %c0_i32_0 : i32, i32
  }
  func.func @transform_6(%arg0: i32) -> (i32, i32) {
    %c0_i32 = arith.constant 0 : i32
    %c0_i32_0 = arith.constant 0 : i32
    %c0_i32_1 = arith.constant 0 : i32
    return %c0_i32, %c0_i32_0 : i32, i32
  }
}

</mosaic_0001>

<sc_bundles>
// kernel: kernel.4.cloned.1.call-start
scs
__scs_entry_jumppad:
0x0: {  	(pc) =	sbr.rel $0x88, $3  }
0x1: {  	(tag) =	ssettag $0x0;
	lr =	simm.s32 $0x1  }
0x2: {  	[smem:$0x3F9E] =	sst lr;
	_ =	strace $0xD0000000  }
0x3: {  	_ = 	snop  }
0x4: {  	_ = 	snop  }
0x5: {  	_ = 	snop  }
0x6: {  	_ = 	snop  }
0x7: {  	_ = 	snop  }
__scs_overlays_trampoline_lowered:
0x8: {  	[smem:$0x3FAD] =	sst s0  }
0x9: {  	[smem:$0x3FAE] =	sst s1  }
0xa: {  	[smem:$0x3FAF] =	sst s2  }
0xb: {  	[smem:$0x3FB0] =	sst s3  }
0xc: {  	[smem:$0x3FB1] =	sst s4  }
0xd: {  	[smem:$0x3FB2] =	sst s5  }
0xe: {  	[smem:$0x3FB3] =	sst s6  }
0xf: {  	[smem:$0x3FB4] =	sst s7  }
0x10: {  	[smem:$0x3FB5] =	sst s8  }
0x11: {  	[smem:$0x3FB6] =	sst s9;
	s0 =	simm.s32 @!p0 $0x0  }
0x12: {  	s1 =	sld [smem:$0x3F9C];
	s0 =	simm.s32 @p0 $0x1  }
0x13: {  	[smem:$0x3FB7] =	sst s0;
	s0 =	simm.s32 @!p1 $0x0  }
0x14: {  	s2 =	sld [smem:$0x3F9B];
	s0 =	simm.s32 @p1 $0x1  }
0x15: {  	[smem:$0x3FB8] =	sst s0;
	s0 =	simm.s32 @!p2 $0x0  }
0x16: {  	s3 =	sld [smem:$0x3FDB];
	s0 =	simm.s32 @p2 $0x1  }
0x17: {  	s4 =	simm.s32 $0x1BF5;
	[smem:$0x3FBA] =	sst s0  }
0x18: {  	s0 =	sld [smem:$0x3F9D];
	_ =	swait.ge [sflag:s4], $0x0  }
0x19: {  	s7 =	sld [smem:$0x3F9E]  }
0x1a: {  	s8 =	sadd.s32 $0xFFFFE003, lr  }
0x1b: {  	s9 =	sadd.s32 $0xFFFFFEF7, lr;
	s5 =	simm.s32 $0xFFFFFFFF;
	p2 =	slt.u32 s8, $0xFFFFF086  }
0x1c: {  	p1 =	slt.u32 s9, $0xF7A;
	s5 =	simm.s32 @!p2 $0x0  }
0x1d: {  	s5 =	simm.s32 @p1 $0x1;
	p0 =	seq.s32 s7, s2  }
0x1e: {  	s7 =	smul.u32 @!p0 $0xF7A, s2;
	p2 =	seq.s32 @!p0 s5, $0x0  }
0x1f: {  	s9 =	smul.u32 $0xF7A, s1;
	s8 =	simm.s32 @!p0 $0x1BF5;
	p2 =	por !p2, p0  }
0x20: {  	[sflag:s8] =	ssyncset.s32 @!p0 $0xFFFFF086;
	s6 =	sadd.s32 @!p0 s3, s7;
	s7 =	simm.s32 @!p0 $0x108  }
0x21: {  	s3 =	sadd.s32 s3, s9;
	s6 =	sadd.s32 @!p0 $0x88, s6;
	s7 =	simm.s32 @p2 $0x1082  }
0x22: {  	[simem:s7], [sflag:s8] =	dma.local @!p0 [hbm:s6], $0xF7A  }
0x23: {  	s9 =	sor.u32 $0xD0000000, s2;
	s6 =	simm.s32 $0x108;
	_ =	swait.ge @!p0 [sflag:s8], $0x0  }
0x24: {  	s3 =	sadd.s32 $0x88, s3;
	s6 =	simm.s32 @!p1 $0x1082;
	[sflag:s4] =	ssyncset.s32 $0xFFFFF086  }
0x25: {  	[simem:s6], [sflag:s4] =	dma.local [hbm:s3], $0xF7A  }
0x26: {  	[smem:$0x3F9E] =	sst s1;
	(tag) =	ssettag s2;
	_ =	strace s9  }
0x27: {  	s1 =	sld [smem:$0x3FAE]  }
0x28: {  	s2 =	sld [smem:$0x3FAF]  }
0x29: {  	s4 =	sld [smem:$0x3FB1]  }
0x2a: {  	p0 =	seq.s32 s5, $0x0;
	s5 =	sld [smem:$0x3FB2]  }
0x2b: {  	s6 =	sld [smem:$0x3FB3]  }
0x2c: {  	s7 =	sld [smem:$0x3FB4]  }
0x2d: {  	s3 =	simm.s32 $0x108;
	s8 =	sld [smem:$0x3FB5]  }
0x2e: {  	s3 =	simm.s32 @!p0 $0x1082;
	s9 =	sld [smem:$0x3FB6]  }
0x2f: {  	lr =	sadd.s32 s0, s3;
	s0 =	sld [smem:$0x3FAD]  }
0x30: {  	s3 =	sld [smem:$0x3FB0]  }
0x31: {  	[smem:$0x3FB9] =	sst s10  }
0x32: {  	s10 =	sld [smem:$0x3FB7];
	_ =	sdelay $0x3  }
0x33: {  	p0 =	seq.s32 s10, $0x1;
	s10 =	sld [smem:$0x3FB9];
	_ =	sdelay $0x3  }
0x34: {  	[smem:$0x3FB9] =	sst s10  }
0x35: {  	s10 =	sld [smem:$0x3FB8];
	_ =	sdelay $0x3  }
0x36: {  	p1 =	seq.s32 s10, $0x1;
	s10 =	sld [smem:$0x3FB9];
	_ =	sdelay $0x3  }
0x37: {  	[smem:$0x3FB9] =	sst s10  }
0x38: {  	s10 =	sld [smem:$0x3FBA]  }
0x39: {  	_ = 	snop;
	(pc) =	sbr.ind lr, $3  }
0x3a: {  	_ = 	snop  }
0x3b: {  	_ = 	snop  }
0x3c: {  	p2 =	seq.s32 s10, $0x1;
	s10 =	sld [smem:$0x3FB9]  }
0x3d: {  	_ =	shalt  }
0x3e: {  	_ =	shalt  }
0x3f: {  	_ =	shalt  }
0x40: {  	_ =	shalt  }
0x41: {  	_ =	shalt  }
0x42: {  	_ =	shalt  }
0x43: {  	_ =	shalt  }
0x44: {  	_ =	shalt  }
0x45: {  	_ =	shalt  }
0x46: {  	_ =	shalt  }
0x47: {  	_ =	shalt  }
0x48: {  	_ =	shalt  }
0x49: {  	_ =	shalt  }
0x4a: {  	_ =	shalt  }
0x4b: {  	_ =	shalt  }
0x4c: {  	_ =	shalt  }
0x4d: {  	_ =	shalt  }
0x4e: {  	_ =	shalt  }
0x4f: {  	_ =	shalt  }
0x50: {  	_ =	shalt  }
0x51: {  	_ =	shalt  }
0x52: {  	_ =	shalt  }
0x53: {  	_ =	shalt  }
0x54: {  	_ =	shalt  }
0x55: {  	_ =	shalt  }
0x56: {  	_ =	shalt  }
0x57: {  	_ =	shalt  }
0x58: {  	_ =	shalt  }
0x59: {  	_ =	shalt  }
0x5a: {  	_ =	shalt  }
0x5b: {  	_ =	shalt  }
0x5c: {  	_ =	shalt  }
0x5d: {  	_ =	shalt  }
0x5e: {  	_ =	shalt  }
0x5f: {  	_ =	shalt  }
0x60: {  	_ =	shalt  }
0x61: {  	_ =	shalt  }
0x62: {  	_ =	shalt  }
0x63: {  	_ =	shalt  }
0x64: {  	_ =	shalt  }
0x65: {  	_ =	shalt  }
0x66: {  	_ =	shalt  }
0x67: {  	_ =	shalt  }
0x68: {  	_ =	shalt  }
0x69: {  	_ =	shalt  }
0x6a: {  	_ =	shalt  }
0x6b: {  	_ =	shalt  }
0x6c: {  	_ =	shalt  }
0x6d: {  	_ =	shalt  }
0x6e: {  	_ =	shalt  }
0x6f: {  	_ =	shalt  }
0x70: {  	_ =	shalt  }
0x71: {  	_ =	shalt  }
0x72: {  	_ =	shalt  }
0x73: {  	_ =	shalt  }
0x74: {  	_ =	shalt  }
0x75: {  	_ =	shalt  }
0x76: {  	_ =	shalt  }
0x77: {  	_ =	shalt  }
0x78: {  	_ =	shalt  }
0x79: {  	_ =	shalt  }
0x7a: {  	_ =	shalt  }
0x7b: {  	_ =	shalt  }
0x7c: {  	_ =	shalt  }
0x7d: {  	_ =	shalt  }
0x7e: {  	_ =	shalt  }
0x7f: {  	_ =	shalt  }
0x80: {  	_ =	shalt  }
0x81: {  	_ =	shalt  }
0x82: {  	_ =	shalt  }
0x83: {  	_ =	shalt  }
0x84: {  	_ =	shalt  }
0x85: {  	_ =	shalt  }
0x86: {  	_ =	shalt  }
0x87: {  	_ =	shalt  }
.Lfunc_end0:
.L_simem_size_0:
called_computation_lowered:
.L_overlay_start_0:
0x88: {  	s2 =	sld [smem:$0x3FD9]  }
0x89: {  	s3 =	sld [smem:$0x3FFE];
	_ =	sdelay $0x1  }
0x8a: {  	s1 =	srdreg.scid  }
0x8b: {  	s0 =	sand.u32 $0x1, s1  }
0x8c: {  	s16 =	sshll.u32 s0, $0xA;
	s2 =	sadd.s32 s3, s2  }
0x8d: {  	s2 =	sadd.s32 s2, s16  }
0x8e: {  	[smem:$0x3FC5] =	sst s2  }
0x8f: {  	_ = 	snop  }
0x90: {  	(tm) =	ssettm $0x1  }
0x91: {  	s17 =	sld [smem:$0x3FFB];
	_ =	sdelay $0x3  }
0x92: {  	_ =	strace s17  }
0x93: {  	s2 =	sld [smem:$0x3FFC];
	_ =	sdelay $0x3  }
0x94: {  	_ =	strace s2  }
0x95: {  	s2 =	sld [smem:$0x3FFD];
	_ =	sdelay $0x3  }
0x96: {  	_ =	strace s2  }
0x97: {  	_ =	strace $0x8FFFFFFF  }
0x98: {  	s18 =	sld [smem:$0x3FDB];
	_ =	sdelay $0x1  }
0x99: {  	s19 =	simm.s32 $_scs_section_size  }
0x9a: {  	s4 =	simm.s32 $_size__tile_overlayer_lowered;
	s5 =	simm.s32 $_tile_overlayer_lowered  }
0x9b: {  	s22 =	simm.s32 $0x1BFF;
	s21 =	sshll.u32 s5, $0x1;
	s2 =	sadd.s32 s19, s18  }
0x9c: {  	s6 =	simm.s32 $0x0;
	s20 =	sshll.u32 s4, $0x1;
	s4 =	sadd.s32 s21, s2  }
0x9d: {  	[timem:s6], [sflag:s22] =	dma.local [hbm:s4], s20  }
0x9e: {  	_ =	swait.ge [sflag:s22], s20  }
0x9f: {  	s3 =	ssub.s32 $0x0, s20;
	[sflag:s22] =	ssyncset.done $0x0  }
0xa0: {  	[sflag:s22] =	ssyncadd.s32 s3;
	_ =	sdelay $0x1  }
0xa1: {  	s23 =	simm.s32 $0x1B8B  }
0xa2: {  	_ =	swait.ge [sflag:s23], $0x1  }
0xa3: {  	[sflag:s23] =	ssyncset.done $0x0  }
0xa4: {  	s25 =	simm.s32 $0x1B8E;
	s24 =	sld [smem:$0x3FFE];
	[sflag:s23] =	ssyncadd.s32 $0xFFFFFFFF  }
0xa5: {  	s26 =	simm.s32 $execute0_lowered;
	[smem:$0x3FD2] =	sst s25  }
0xa6: {  	s4 =	sshll.u32 s26, $0x1;
	_ =	strace $0x80000046;
	[dreg:$0x1] =	wrdreg $0xFFFFFFFF  }
0xa7: {  	s28 =	simm.s32 $_size_execute0_lowered;
	s2 =	sadd.s32 s2, s4;
	[dreg:$0x0] =	wrdreg $0x0  }
0xa8: {  	s4 =	sshll.u32 s28, $0x1;
	[dreg:$0x2] =	wrdreg s2  }
0xa9: {  	[dreg:$0x3] =	wrdreg s4  }
0xaa: {  	[dreg:$0x4] =	wrdreg $0xC0  }
0xab: {  	_ =	task [dreg:s6], $0x5FFFF  }
0xac: {  	[dreg:$0x1] =	wrdreg $0xFFFFFFFF  }
0xad: {  	[dreg:$0x0] =	wrdreg $0x60  }
0xae: {  	[dreg:$0x2] =	wrdreg s24  }
0xaf: {  	[dreg:$0x3] =	wrdreg $0x9  }
0xb0: {  	_ =	task.clear_ibuf [dreg:s6], $0x4FFFF;
	_ =	strace $0x90000046  }
0xb1: {  	s29 =	simm.s32 $0x9;
	_ =	strace $0x80000048  }
0xb2: {  	_ =	swait.ge [sflag:s29], $0x1  }
0xb3: {  	[sflag:s29] =	ssyncadd.s32 $0xFFFFFFFF  }
0xb4: {  	_ =	strace $0x90000048  }
0xb5: {  	_ =	sfence  }
0xb6: {  	s30 =	sld [smem:$0x0];
	_ =	sdelay $0x2  }
0xb7: {  	s31 =	sshll.u32 s1, $0xD;
	s1 =	sshrl.u32 s1, $0x2  }
0xb8: {  	s3 =	sand.u32 $0x4000, s31;
	s1 =	sadd.s32 s1, s30  }
0xb9: {  	s0 =	sor.u32 s3, s0;
	s1 =	sshll.u32 s1, $0x11  }
0xba: {  	s0 =	sor.u32 s1, s0  }
0xbb: {  	s0 =	sadd.s32 $0x8F2B, s0  }
0xbc: {  	[sflag:s0] =	ssyncadd.remote.s32 $0x1  }
0xbd: {  	_ =	sfence.sel $0xFFFF  }
0xbe: {  	[dreg:$0x0] =	wrdreg $0xFFFFFFFF;
	(pc) =	sbr.abs _section_cstart, $3  }
0xbf: {  	[dreg:$0x1] =	wrdreg $0xFFFFFFFF  }
0xc0: {  	_ =	task.clear_ibuf [dreg:s6], $0x2FFFF;
	_ =	strace $0x9FFFFFFF  }
0xc1: {  	(tm) =	ssettm $0x7FFFFFFF  }
tec
execute0_lowered:
.L_overlay_start_1:
0x0: {  	(tag) =	ssettag $0x1  }
0x1: {  	s0 =	srdreg.scid  }
0x2: {  	s6 =	sand.u32 $0x1, s0;
	s0 =	stileid.u32  }
0x3: {  	s2 =	sor.u32 s0, s6  }
0x4: {  	p0 =	sne.s32 s2, $0x0  }
.Ltmp0:
0x5: {  	_ = 	snop;
	(pc) =	sbr.rel @p0 .LBB2_4-.Ltmp0, $3  }
0x6: {  	_ =	sdelay $0x1  }
0x7: {  	s5 =	rddreg [dreg:$0x0]  }
0x8: {  	s1 =	rddreg [dreg:$0x1];
	_ =	strace $0x80000047  }
0x9: {  	s2 =	sadd.s32 $0x3B3000, s5;
	s4 =	simm.s32 $0x0;
	s6 =	ssub.s32 $0x2, s6  }
0xa: {  	[tilespmem:s4], [sflag:$0x1] =	stream.linear.gather [hbm4b:s2+s4], $0x5900, $0x38;
	[tilespmem:$0x5900] =	vst v63  }
0xb: {  	s7 =	sshrl.u32 s6, $0x1  }
0xc: {  	s3 =	simm.s32 $0x1;
	s6 =	ssub.s32 s6, s7  }
0xd: {  	_ =	swait.ge [sflag:s3], $0x5900;
	p0 =	sne.s32 s6, $0x1  }
.Ltmp1:
0xe: {  	[sflag:s3] =	ssyncset.done $0x0;
	(pc) =	sbr.rel @!p0 .LBB2_3-.Ltmp1, $4  }
0xf: {  	s5 =	sadd.s32 $0x3B3C00, s5;
	[sflag:s3] =	ssyncadd.s32 $0xFFFFA700  }
0x10: {  	[hbm4b:s5+s4] =	stream.linear.scatter [tilespmem:s4], [sflag:$0x1], $0x58E0, $0x38;
	[tilespmem:$0x5900] =	vst v63  }
0x11: {  	_ =	swait.ge [sflag:s3], $0x58E0  }
0x12: {  	s6 =	sadd.s32 $0xFFFFFFFF, s6;
	[sflag:s3] =	ssyncset.done $0x0  }
.LBB2_2:
0x13: {  	p0 =	sne.s32 s6, $0x1;
	s6 =	sadd.s32 $0xFFFFFFFF, s6;
	[sflag:s3] =	ssyncadd.s32 $0xFFFFA720  }
0x14: {  	[tilespmem:s4], [sflag:$0x1] =	stream.linear.gather [hbm4b:s2+s4], $0x5900, $0x38;
	[tilespmem:$0x5900] =	vst v63  }
0x15: {  	_ =	swait.ge [sflag:s3], $0x5900  }
.Ltmp2:
0x16: {  	[sflag:s3] =	ssyncset.done $0x0;
	(pc) =	sbr.rel @p0 .LBB2_2-.Ltmp2, $4  }
0x17: {  	[sflag:s3] =	ssyncadd.s32 $0xFFFFA700  }
0x18: {  	[hbm4b:s5+s4] =	stream.linear.scatter [tilespmem:s4], [sflag:$0x1], $0x58E0, $0x38;
	[tilespmem:$0x5900] =	vst v63  }
0x19: {  	_ =	swait.ge [sflag:s3], $0x58E0  }
0x1a: {  	[sflag:s3] =	ssyncset.done $0x0  }
.LBB2_3:
0x1b: {  	[sflag:s3] =	ssyncadd.s32 $0xFFFFA720  }
.LBB2_4:
0x1c: {  	_ =	sfence.sel $0x180000  }
0x1d: {  	[bflag:$0x0] =	sbarrier.arrive $0xFFFF  }
0x1e: {  	p0 =	sne.s32 s0, $0x0;
	_ =	strace $0x90000047  }
0x1f: {  	s0 =	sadd.s32 @!p0 $0x100000, s1;
	[bflag:$0x2] =	sbarrier.arrive $0xFFFF  }
0x20: {  	[sflag:s0] =	ssyncadd.tile.s32 @!p0 $0x1;
	_ =	shalt  }
.Lfunc_end2:
_tile_overlayer_lowered:
.L_overlay_start_2:
0x21: {  	(tag) =	ssettag $0x2  }
0x22: {  	s0 =	rddreg [dreg:$0x0];
	s2 =	stileid.u32  }
0x23: {  	s1 =	rddreg [dreg:$0x1];
	p0 =	sne.s32 s2, $0x0  }
0x24: {  	s3 =	rddreg [dreg:$0x2];
	[bflag:$0x3] =	sbarrier.arrive $0xFFFF;
	s2 =	simm.s32 @!p0 $0x1C01  }
0x25: {  	[timem:s3], [sflag:s2] =	dma.local @!p0 [hbm:s0], s1  }
0x26: {  	s0 =	simm.s32 @!p0 $0x1  }
0x27: {  	_ =	swait.ge @!p0 [sflag:s0], s1  }
0x28: {  	s1 =	ssub.s32 @!p0 $0x0, s1;
	[sflag:s0] =	ssyncset.done @!p0 $0x0  }
0x29: {  	[sflag:s0] =	ssyncadd.s32 @!p0 s1  }
0x2a: {  	[bflag:$0x3] =	sbarrier.arrive $0xFFFF  }
0x2b: {  	_ =	shalt  }

</sc_bundles>
